<compile_context>
chip_gen: v7x
topology: tpu7x:2x2x1
jax: 0.10.2.dev20260603
libtpu: 0.0.44.dev20260713+nightly
codegen_flags: <defaults>
</compile_context>

<pallas_src>
import functools

import jax
import jax.numpy as jnp
from jax import lax
from jax.experimental import pallas as pl
from jax.experimental.pallas import tpu as pltpu
from jax.experimental.pallas import tpu_sc as plsc

D_VOCAB = 100000
D_MODEL = 768
N_TOK = 8192
NUM_WORKERS = 32
ROWS_PER_WORKER = D_MODEL // NUM_WORKERS
LANES = 16


def _gather_body(x_hbm, w_hbm, outT_hbm, idx_v, row_v, val_a, val_b, osems):
    c = lax.axis_index("c")
    s = lax.axis_index("s")
    wid = s * 2 + c

    pltpu.sync_copy(x_hbm, idx_v)

    def do_row(d, val):
        pltpu.sync_copy(w_hbm.at[d], row_v)

        def per_vec(j, carry2):
            iv = idx_v[pl.ds(j * LANES, LANES)]
            val[pl.ds(j * LANES, LANES)] = plsc.load_gather(row_v, [iv])
            return carry2

        lax.fori_loop(0, N_TOK // LANES, per_vec, 0, unroll=8)

    def per_pair(p, carry):
        d0 = wid * ROWS_PER_WORKER + 2 * p

        @pl.when(p >= 1)
        def _():
            pltpu.make_async_copy(
                val_a, outT_hbm.at[d0 - 2], osems.at[0]
            ).wait()

        do_row(d0, val_a)
        pltpu.async_copy(val_a, outT_hbm.at[d0], osems.at[0])

        @pl.when(p >= 1)
        def _():
            pltpu.make_async_copy(
                val_b, outT_hbm.at[d0 - 1], osems.at[1]
            ).wait()

        do_row(d0 + 1, val_b)
        pltpu.async_copy(val_b, outT_hbm.at[d0 + 1], osems.at[1])
        return carry

    lax.fori_loop(0, ROWS_PER_WORKER // 2, per_pair, 0)

    last = wid * ROWS_PER_WORKER + ROWS_PER_WORKER - 2
    pltpu.make_async_copy(val_a, outT_hbm.at[last], osems.at[0]).wait()
    pltpu.make_async_copy(val_b, outT_hbm.at[last + 1], osems.at[1]).wait()


@jax.jit
def _gather_rows(x_flat, w):
    mesh = plsc.VectorSubcoreMesh(core_axis_name="c", subcore_axis_name="s")
    fn = functools.partial(
        pl.kernel,
        out_type=jax.ShapeDtypeStruct((D_MODEL, N_TOK), jnp.float32),
        mesh=mesh,
        scratch_types=[
            pltpu.VMEM((N_TOK,), jnp.int32),
            pltpu.VMEM((D_VOCAB,), jnp.float32),
            pltpu.VMEM((N_TOK,), jnp.float32),
            pltpu.VMEM((N_TOK,), jnp.float32),
            pltpu.SemaphoreType.DMA((2,)),
        ],
        compiler_params=pltpu.CompilerParams(needs_layout_passes=False),
    )(_gather_body)
    return fn(x_flat, w)


def kernel(x, W_E):
    b, s = x.shape
    x_flat = x.reshape(-1).astype(jnp.int32)
    outT = _gather_rows(x_flat, W_E)
    return jnp.transpose(outT).reshape(b, s, D_MODEL)

# --- scband reference (transcript-rebuilt; emitter-appended) ---
"""Pipeline reference for scband-embed-2611340116175 (READ-ONLY COPY).

The authoritative reference and input builder live on the scoring server;
editing this copy changes nothing except your own understanding.
"""

import jax, jax.numpy as jnp
import numpy as np

D_VOCAB = 100000
D_MODEL = 768
BATCH = 4
SEQ = 2048


def setup_inputs(seed: int = 0) -> dict:
    key = jax.random.key(seed)
    k_x, k_w = jax.random.split(key)
    x = jax.random.randint(k_x, (BATCH, SEQ), 0, D_VOCAB, dtype=jnp.int64 if jax.config.jax_enable_x64 else jnp.int32)
    W_E = jax.random.normal(k_w, (D_MODEL, D_VOCAB), dtype=jnp.float32) / np.sqrt(D_MODEL)
    return {"x": x, "W_E": W_E}


def reference(x, W_E):
    # torch: einsum('dbp -> bpd', W_E[:, x])
    # W_E[:, x] has shape [d_model, batch, pos]; transpose to [batch, pos, d_model]
    gathered = jnp.take(W_E, x, axis=1)  # [d, b, p]
    return jnp.transpose(gathered, (1, 2, 0))  # [b, p, d]

if __name__ == "__main__":
    import jax
    _d = setup_inputs()
    print(jax.jit(kernel)(*tuple(_d.values())))

</pallas_src>

<mosaic_0001>
#map = affine_map<(d0, d1) -> (0)>
#map1 = affine_map<(d0, d1) -> (0, 0)>
module attributes {stable_mosaic.version = 14 : i64} {
  func.func @_gather_body(%arg0: i32, %arg1: i32, %arg2: memref<8192xi32, #tpu.memory_space<hbm>>, %arg3: memref<768x100000xf32, #tpu.memory_space<hbm>>, %arg4: memref<768x8192xf32, #tpu.memory_space<hbm>>, %arg5: memref<8192xi32, #tpu.memory_space<vmem>>, %arg6: memref<100000xf32, #tpu.memory_space<vmem>>, %arg7: memref<8192xf32, #tpu.memory_space<vmem>>, %arg8: memref<8192xf32, #tpu.memory_space<vmem>>, %arg9: memref<2x!tpu.dma_semaphore, #tpu.memory_space<semaphore_mem>>) attributes {dimension_semantics = [#tpu.dimension_semantics<core_parallel>, #tpu.dimension_semantics<subcore_parallel>], iteration_bounds = array<i64: 2, 16>, scalar_prefetch = 0 : i64, scratch_operands = 5 : i64, tpu.core_type = #tpu.core_type<sc_vector_subcore>, window_params = [{transform_indices = #map}, {transform_indices = #map1}, {transform_indices = #map1}]} {
    %mul3A = arith.constant 2 : i32
    %mul3A_0 = arith.muli %arg1, %mul3A : i32
    %add3A = arith.addi %mul3A_0, %arg0 : i32
    "tpu.region"() ({
      %run_scoped3A = tpu.sem_alloc : memref<!tpu.dma_semaphore, #tpu.memory_space<semaphore_mem>>
      tpu.enqueue_dma source(%arg2 : memref<8192xi32, #tpu.memory_space<hbm>>) target(%arg5 : memref<8192xi32, #tpu.memory_space<vmem>>) target_semaphore(%run_scoped3A : memref<!tpu.dma_semaphore, #tpu.memory_space<semaphore_mem>>)
      tpu.wait_dma2 semaphore(%run_scoped3A : memref<!tpu.dma_semaphore, #tpu.memory_space<semaphore_mem>>) src(%arg2 : memref<8192xi32, #tpu.memory_space<hbm>>) dst(%arg5 : memref<8192xi32, #tpu.memory_space<vmem>>)
      tpu.yield
    }) : () -> ()
    %scan3A = arith.constant 0 : i32
    %scan3A_1 = arith.constant 0 : i32
    %scan3A_2 = arith.constant 12 : i32
    %scan3A_3 = arith.addi %scan3A_1, %scan3A_2 : i32
    %scan3A_4 = arith.constant 1 : i32
    scf.for %scan3A_30 = %scan3A_1 to %scan3A_3 step %scan3A_4  : i32 {
      %mul3A_31 = arith.constant 24 : i32
      %mul3A_32 = arith.muli %add3A, %mul3A_31 : i32
      %mul3A_33 = arith.constant 2 : i32
      %mul3A_34 = arith.muli %mul3A_33, %scan3A_30 : i32
      %add3A_35 = arith.addi %mul3A_32, %mul3A_34 : i32
      %ge3A = arith.constant 1 : i32
      %ge3A_36 = arith.cmpi sge, %scan3A_30, %ge3A : i32
      %convert_element_type3A = arith.extui %ge3A_36 : i1 to i32
      %cond3A = arith.constant 0 : i32
      %cond3A_37 = arith.cmpi ne, %convert_element_type3A, %cond3A : i32
      scf.if %cond3A_37 {
        %sub3A_76 = arith.constant 2 : i32
        %sub3A_77 = arith.subi %add3A_35, %sub3A_76 : i32
        %dma_wait3A_78 = arith.constant 0 : i32
        %dma_wait3A_79 = arith.constant 0 : i32
        %dma_wait3A_80 = tpu.memref_slice %arg4[%sub3A_77, %dma_wait3A_79] : memref<768x8192xf32, #tpu.memory_space<hbm>> -> memref<1x8192xf32, #tpu.memory_space<hbm>>
        %dma_wait3A_81 = tpu.memref_squeeze %dma_wait3A_80 : memref<1x8192xf32, #tpu.memory_space<hbm>> -> memref<8192xf32, #tpu.memory_space<hbm>>
        %dma_wait3A_82 = tpu.memref_slice %arg9[%dma_wait3A_78] : memref<2x!tpu.dma_semaphore, #tpu.memory_space<semaphore_mem>> -> memref<1x!tpu.dma_semaphore, #tpu.memory_space<semaphore_mem>>
        %dma_wait3A_83 = tpu.memref_squeeze %dma_wait3A_82 : memref<1x!tpu.dma_semaphore, #tpu.memory_space<semaphore_mem>> -> memref<!tpu.dma_semaphore, #tpu.memory_space<semaphore_mem>>
        %dma_wait3A_84 = arith.constant 0 : i32
        %dma_wait3A_85 = tpu.memref_slice %arg4[%sub3A_77, %dma_wait3A_84] : memref<768x8192xf32, #tpu.memory_space<hbm>> -> memref<1x8192xf32, #tpu.memory_space<hbm>>
        %dma_wait3A_86 = tpu.memref_squeeze %dma_wait3A_85 : memref<1x8192xf32, #tpu.memory_space<hbm>> -> memref<8192xf32, #tpu.memory_space<hbm>>
        tpu.wait_dma2 semaphore(%dma_wait3A_83 : memref<!tpu.dma_semaphore, #tpu.memory_space<semaphore_mem>>) src(%arg7 : memref<8192xf32, #tpu.memory_space<vmem>>) dst(%dma_wait3A_86 : memref<8192xf32, #tpu.memory_space<hbm>>)
      } else {
      }
      "tpu.region"() ({
        %run_scoped3A = tpu.sem_alloc : memref<!tpu.dma_semaphore, #tpu.memory_space<semaphore_mem>>
        %dma_start3A_76 = arith.constant 0 : i32
        %dma_start3A_77 = tpu.memref_slice %arg3[%add3A_35, %dma_start3A_76] : memref<768x100000xf32, #tpu.memory_space<hbm>> -> memref<1x100000xf32, #tpu.memory_space<hbm>>
        %dma_start3A_78 = tpu.memref_squeeze %dma_start3A_77 : memref<1x100000xf32, #tpu.memory_space<hbm>> -> memref<100000xf32, #tpu.memory_space<hbm>>
        %dma_start3A_79 = arith.constant 0 : i32
        %dma_start3A_80 = tpu.memref_slice %arg3[%add3A_35, %dma_start3A_79] : memref<768x100000xf32, #tpu.memory_space<hbm>> -> memref<1x100000xf32, #tpu.memory_space<hbm>>
        %dma_start3A_81 = tpu.memref_squeeze %dma_start3A_80 : memref<1x100000xf32, #tpu.memory_space<hbm>> -> memref<100000xf32, #tpu.memory_space<hbm>>
        tpu.enqueue_dma source(%dma_start3A_81 : memref<100000xf32, #tpu.memory_space<hbm>>) target(%arg6 : memref<100000xf32, #tpu.memory_space<vmem>>) target_semaphore(%run_scoped3A : memref<!tpu.dma_semaphore, #tpu.memory_space<semaphore_mem>>)
        %dma_wait3A_82 = arith.constant 0 : i32
        %dma_wait3A_83 = tpu.memref_slice %arg3[%add3A_35, %dma_wait3A_82] : memref<768x100000xf32, #tpu.memory_space<hbm>> -> memref<1x100000xf32, #tpu.memory_space<hbm>>
        %dma_wait3A_84 = tpu.memref_squeeze %dma_wait3A_83 : memref<1x100000xf32, #tpu.memory_space<hbm>> -> memref<100000xf32, #tpu.memory_space<hbm>>
        %dma_wait3A_85 = arith.constant 0 : i32
        %dma_wait3A_86 = tpu.memref_slice %arg3[%add3A_35, %dma_wait3A_85] : memref<768x100000xf32, #tpu.memory_space<hbm>> -> memref<1x100000xf32, #tpu.memory_space<hbm>>
        %dma_wait3A_87 = tpu.memref_squeeze %dma_wait3A_86 : memref<1x100000xf32, #tpu.memory_space<hbm>> -> memref<100000xf32, #tpu.memory_space<hbm>>
        tpu.wait_dma2 semaphore(%run_scoped3A : memref<!tpu.dma_semaphore, #tpu.memory_space<semaphore_mem>>) src(%dma_wait3A_87 : memref<100000xf32, #tpu.memory_space<hbm>>) dst(%arg6 : memref<100000xf32, #tpu.memory_space<vmem>>)
        tpu.yield
      }) : () -> ()
      %scan3A_38 = arith.constant 0 : i32
      %scan3A_39 = arith.constant 0 : i32
      %scan3A_40 = arith.constant 512 : i32
      %scan3A_41 = arith.addi %scan3A_39, %scan3A_40 : i32
      %scan3A_42 = arith.constant 8 : i32
      scf.for %scan3A_76 = %scan3A_39 to %scan3A_41 step %scan3A_42  : i32 {
        %mul3A_77 = arith.constant 16 : i32
        %mul3A_78 = arith.muli %scan3A_76, %mul3A_77 : i32
        %get3A = arith.index_cast %mul3A_78 : i32 to index
        %get3A_79 = tpu.vector_load %arg5[%get3A] {strides = array<i32>} : memref<8192xi32, #tpu.memory_space<vmem>>, vector<16xi32>,
        %gather3A = tpu.vector_load_idx %arg6[%get3A_79] : memref<100000xf32, #tpu.memory_space<vmem>>[vector<16xi32>], vector<16xf32>,
        %mul3A_80 = arith.constant 16 : i32
        %mul3A_81 = arith.muli %scan3A_76, %mul3A_80 : i32
        %swap3A = arith.index_cast %mul3A_81 : i32 to index
        %swap3A_82 = tpu.vector_load %arg7[%swap3A] {strides = array<i32>} : memref<8192xf32, #tpu.memory_space<vmem>>, vector<16xf32>,
        tpu.vector_store %arg7[%swap3A], %gather3A {strides = array<i32>} : memref<8192xf32, #tpu.memory_space<vmem>>, vector<16xf32>,
        %scan3A_83 = arith.constant 1 : i32
        %scan3A_84 = arith.addi %scan3A_76, %scan3A_83 : i32
        %mul3A_85 = arith.constant 16 : i32
        %mul3A_86 = arith.muli %scan3A_84, %mul3A_85 : i32
        %get3A_87 = arith.index_cast %mul3A_86 : i32 to index
        %get3A_88 = tpu.vector_load %arg5[%get3A_87] {strides = array<i32>} : memref<8192xi32, #tpu.memory_space<vmem>>, vector<16xi32>,
        %gather3A_89 = tpu.vector_load_idx %arg6[%get3A_88] : memref<100000xf32, #tpu.memory_space<vmem>>[vector<16xi32>], vector<16xf32>,
        %mul3A_90 = arith.constant 16 : i32
        %mul3A_91 = arith.muli %scan3A_84, %mul3A_90 : i32
        %swap3A_92 = arith.index_cast %mul3A_91 : i32 to index
        %swap3A_93 = tpu.vector_load %arg7[%swap3A_92] {strides = array<i32>} : memref<8192xf32, #tpu.memory_space<vmem>>, vector<16xf32>,
        tpu.vector_store %arg7[%swap3A_92], %gather3A_89 {strides = array<i32>} : memref<8192xf32, #tpu.memory_space<vmem>>, vector<16xf32>,
        %scan3A_94 = arith.constant 2 : i32
        %scan3A_95 = arith.addi %scan3A_76, %scan3A_94 : i32
        %mul3A_96 = arith.constant 16 : i32
        %mul3A_97 = arith.muli %scan3A_95, %mul3A_96 : i32
        %get3A_98 = arith.index_cast %mul3A_97 : i32 to index
        %get3A_99 = tpu.vector_load %arg5[%get3A_98] {strides = array<i32>} : memref<8192xi32, #tpu.memory_space<vmem>>, vector<16xi32>,
        %gather3A_100 = tpu.vector_load_idx %arg6[%get3A_99] : memref<100000xf32, #tpu.memory_space<vmem>>[vector<16xi32>], vector<16xf32>,
        %mul3A_101 = arith.constant 16 : i32
        %mul3A_102 = arith.muli %scan3A_95, %mul3A_101 : i32
        %swap3A_103 = arith.index_cast %mul3A_102 : i32 to index
        %swap3A_104 = tpu.vector_load %arg7[%swap3A_103] {strides = array<i32>} : memref<8192xf32, #tpu.memory_space<vmem>>, vector<16xf32>,
        tpu.vector_store %arg7[%swap3A_103], %gather3A_100 {strides = array<i32>} : memref<8192xf32, #tpu.memory_space<vmem>>, vector<16xf32>,
        %scan3A_105 = arith.constant 3 : i32
        %scan3A_106 = arith.addi %scan3A_76, %scan3A_105 : i32
        %mul3A_107 = arith.constant 16 : i32
        %mul3A_108 = arith.muli %scan3A_106, %mul3A_107 : i32
        %get3A_109 = arith.index_cast %mul3A_108 : i32 to index
        %get3A_110 = tpu.vector_load %arg5[%get3A_109] {strides = array<i32>} : memref<8192xi32, #tpu.memory_space<vmem>>, vector<16xi32>,
        %gather3A_111 = tpu.vector_load_idx %arg6[%get3A_110] : memref<100000xf32, #tpu.memory_space<vmem>>[vector<16xi32>], vector<16xf32>,
        %mul3A_112 = arith.constant 16 : i32
        %mul3A_113 = arith.muli %scan3A_106, %mul3A_112 : i32
        %swap3A_114 = arith.index_cast %mul3A_113 : i32 to index
        %swap3A_115 = tpu.vector_load %arg7[%swap3A_114] {strides = array<i32>} : memref<8192xf32, #tpu.memory_space<vmem>>, vector<16xf32>,
        tpu.vector_store %arg7[%swap3A_114], %gather3A_111 {strides = array<i32>} : memref<8192xf32, #tpu.memory_space<vmem>>, vector<16xf32>,
        %scan3A_116 = arith.constant 4 : i32
        %scan3A_117 = arith.addi %scan3A_76, %scan3A_116 : i32
        %mul3A_118 = arith.constant 16 : i32
        %mul3A_119 = arith.muli %scan3A_117, %mul3A_118 : i32
        %get3A_120 = arith.index_cast %mul3A_119 : i32 to index
        %get3A_121 = tpu.vector_load %arg5[%get3A_120] {strides = array<i32>} : memref<8192xi32, #tpu.memory_space<vmem>>, vector<16xi32>,
        %gather3A_122 = tpu.vector_load_idx %arg6[%get3A_121] : memref<100000xf32, #tpu.memory_space<vmem>>[vector<16xi32>], vector<16xf32>,
        %mul3A_123 = arith.constant 16 : i32
        %mul3A_124 = arith.muli %scan3A_117, %mul3A_123 : i32
        %swap3A_125 = arith.index_cast %mul3A_124 : i32 to index
        %swap3A_126 = tpu.vector_load %arg7[%swap3A_125] {strides = array<i32>} : memref<8192xf32, #tpu.memory_space<vmem>>, vector<16xf32>,
        tpu.vector_store %arg7[%swap3A_125], %gather3A_122 {strides = array<i32>} : memref<8192xf32, #tpu.memory_space<vmem>>, vector<16xf32>,
        %scan3A_127 = arith.constant 5 : i32
        %scan3A_128 = arith.addi %scan3A_76, %scan3A_127 : i32
        %mul3A_129 = arith.constant 16 : i32
        %mul3A_130 = arith.muli %scan3A_128, %mul3A_129 : i32
        %get3A_131 = arith.index_cast %mul3A_130 : i32 to index
        %get3A_132 = tpu.vector_load %arg5[%get3A_131] {strides = array<i32>} : memref<8192xi32, #tpu.memory_space<vmem>>, vector<16xi32>,
        %gather3A_133 = tpu.vector_load_idx %arg6[%get3A_132] : memref<100000xf32, #tpu.memory_space<vmem>>[vector<16xi32>], vector<16xf32>,
        %mul3A_134 = arith.constant 16 : i32
        %mul3A_135 = arith.muli %scan3A_128, %mul3A_134 : i32
        %swap3A_136 = arith.index_cast %mul3A_135 : i32 to index
        %swap3A_137 = tpu.vector_load %arg7[%swap3A_136] {strides = array<i32>} : memref<8192xf32, #tpu.memory_space<vmem>>, vector<16xf32>,
        tpu.vector_store %arg7[%swap3A_136], %gather3A_133 {strides = array<i32>} : memref<8192xf32, #tpu.memory_space<vmem>>, vector<16xf32>,
        %scan3A_138 = arith.constant 6 : i32
        %scan3A_139 = arith.addi %scan3A_76, %scan3A_138 : i32
        %mul3A_140 = arith.constant 16 : i32
        %mul3A_141 = arith.muli %scan3A_139, %mul3A_140 : i32
        %get3A_142 = arith.index_cast %mul3A_141 : i32 to index
        %get3A_143 = tpu.vector_load %arg5[%get3A_142] {strides = array<i32>} : memref<8192xi32, #tpu.memory_space<vmem>>, vector<16xi32>,
        %gather3A_144 = tpu.vector_load_idx %arg6[%get3A_143] : memref<100000xf32, #tpu.memory_space<vmem>>[vector<16xi32>], vector<16xf32>,
        %mul3A_145 = arith.constant 16 : i32
        %mul3A_146 = arith.muli %scan3A_139, %mul3A_145 : i32
        %swap3A_147 = arith.index_cast %mul3A_146 : i32 to index
        %swap3A_148 = tpu.vector_load %arg7[%swap3A_147] {strides = array<i32>} : memref<8192xf32, #tpu.memory_space<vmem>>, vector<16xf32>,
        tpu.vector_store %arg7[%swap3A_147], %gather3A_144 {strides = array<i32>} : memref<8192xf32, #tpu.memory_space<vmem>>, vector<16xf32>,
        %scan3A_149 = arith.constant 7 : i32
        %scan3A_150 = arith.addi %scan3A_76, %scan3A_149 : i32
        %mul3A_151 = arith.constant 16 : i32
        %mul3A_152 = arith.muli %scan3A_150, %mul3A_151 : i32
        %get3A_153 = arith.index_cast %mul3A_152 : i32 to index
        %get3A_154 = tpu.vector_load %arg5[%get3A_153] {strides = array<i32>} : memref<8192xi32, #tpu.memory_space<vmem>>, vector<16xi32>,
        %gather3A_155 = tpu.vector_load_idx %arg6[%get3A_154] : memref<100000xf32, #tpu.memory_space<vmem>>[vector<16xi32>], vector<16xf32>,
        %mul3A_156 = arith.constant 16 : i32
        %mul3A_157 = arith.muli %scan3A_150, %mul3A_156 : i32
        %swap3A_158 = arith.index_cast %mul3A_157 : i32 to index
        %swap3A_159 = tpu.vector_load %arg7[%swap3A_158] {strides = array<i32>} : memref<8192xf32, #tpu.memory_space<vmem>>, vector<16xf32>,
        tpu.vector_store %arg7[%swap3A_158], %gather3A_155 {strides = array<i32>} : memref<8192xf32, #tpu.memory_space<vmem>>, vector<16xf32>,
      }
      %scan3A_43 = arith.constant 512 : i32
      %dma_start3A = arith.constant 0 : i32
      %dma_start3A_44 = arith.constant 0 : i32
      %dma_start3A_45 = tpu.memref_slice %arg4[%add3A_35, %dma_start3A_44] : memref<768x8192xf32, #tpu.memory_space<hbm>> -> memref<1x8192xf32, #tpu.memory_space<hbm>>
      %dma_start3A_46 = tpu.memref_squeeze %dma_start3A_45 : memref<1x8192xf32, #tpu.memory_space<hbm>> -> memref<8192xf32, #tpu.memory_space<hbm>>
      %dma_start3A_47 = tpu.memref_slice %arg9[%dma_start3A] : memref<2x!tpu.dma_semaphore, #tpu.memory_space<semaphore_mem>> -> memref<1x!tpu.dma_semaphore, #tpu.memory_space<semaphore_mem>>
      %dma_start3A_48 = tpu.memref_squeeze %dma_start3A_47 : memref<1x!tpu.dma_semaphore, #tpu.memory_space<semaphore_mem>> -> memref<!tpu.dma_semaphore, #tpu.memory_space<semaphore_mem>>
      %dma_start3A_49 = arith.constant 0 : i32
      %dma_start3A_50 = tpu.memref_slice %arg4[%add3A_35, %dma_start3A_49] : memref<768x8192xf32, #tpu.memory_space<hbm>> -> memref<1x8192xf32, #tpu.memory_space<hbm>>
      %dma_start3A_51 = tpu.memref_squeeze %dma_start3A_50 : memref<1x8192xf32, #tpu.memory_space<hbm>> -> memref<8192xf32, #tpu.memory_space<hbm>>
      tpu.enqueue_dma source(%arg7 : memref<8192xf32, #tpu.memory_space<vmem>>) target(%dma_start3A_51 : memref<8192xf32, #tpu.memory_space<hbm>>) target_semaphore(%dma_start3A_48 : memref<!tpu.dma_semaphore, #tpu.memory_space<semaphore_mem>>)
      %ge3A_52 = arith.constant 1 : i32
      %ge3A_53 = arith.cmpi sge, %scan3A_30, %ge3A_52 : i32
      %convert_element_type3A_54 = arith.extui %ge3A_53 : i1 to i32
      %cond3A_55 = arith.constant 0 : i32
      %cond3A_56 = arith.cmpi ne, %convert_element_type3A_54, %cond3A_55 : i32
      scf.if %cond3A_56 {
        %sub3A_76 = arith.constant 1 : i32
        %sub3A_77 = arith.subi %add3A_35, %sub3A_76 : i32
        %dma_wait3A_78 = arith.constant 1 : i32
        %dma_wait3A_79 = arith.constant 0 : i32
        %dma_wait3A_80 = tpu.memref_slice %arg4[%sub3A_77, %dma_wait3A_79] : memref<768x8192xf32, #tpu.memory_space<hbm>> -> memref<1x8192xf32, #tpu.memory_space<hbm>>
        %dma_wait3A_81 = tpu.memref_squeeze %dma_wait3A_80 : memref<1x8192xf32, #tpu.memory_space<hbm>> -> memref<8192xf32, #tpu.memory_space<hbm>>
        %dma_wait3A_82 = tpu.memref_slice %arg9[%dma_wait3A_78] : memref<2x!tpu.dma_semaphore, #tpu.memory_space<semaphore_mem>> -> memref<1x!tpu.dma_semaphore, #tpu.memory_space<semaphore_mem>>
        %dma_wait3A_83 = tpu.memref_squeeze %dma_wait3A_82 : memref<1x!tpu.dma_semaphore, #tpu.memory_space<semaphore_mem>> -> memref<!tpu.dma_semaphore, #tpu.memory_space<semaphore_mem>>
        %dma_wait3A_84 = arith.constant 0 : i32
        %dma_wait3A_85 = tpu.memref_slice %arg4[%sub3A_77, %dma_wait3A_84] : memref<768x8192xf32, #tpu.memory_space<hbm>> -> memref<1x8192xf32, #tpu.memory_space<hbm>>
        %dma_wait3A_86 = tpu.memref_squeeze %dma_wait3A_85 : memref<1x8192xf32, #tpu.memory_space<hbm>> -> memref<8192xf32, #tpu.memory_space<hbm>>
        tpu.wait_dma2 semaphore(%dma_wait3A_83 : memref<!tpu.dma_semaphore, #tpu.memory_space<semaphore_mem>>) src(%arg8 : memref<8192xf32, #tpu.memory_space<vmem>>) dst(%dma_wait3A_86 : memref<8192xf32, #tpu.memory_space<hbm>>)
      } else {
      }
      %add3A_57 = arith.constant 1 : i32
      %add3A_58 = arith.addi %add3A_35, %add3A_57 : i32
      "tpu.region"() ({
        %run_scoped3A = tpu.sem_alloc : memref<!tpu.dma_semaphore, #tpu.memory_space<semaphore_mem>>
        %dma_start3A_76 = arith.constant 0 : i32
        %dma_start3A_77 = tpu.memref_slice %arg3[%add3A_58, %dma_start3A_76] : memref<768x100000xf32, #tpu.memory_space<hbm>> -> memref<1x100000xf32, #tpu.memory_space<hbm>>
        %dma_start3A_78 = tpu.memref_squeeze %dma_start3A_77 : memref<1x100000xf32, #tpu.memory_space<hbm>> -> memref<100000xf32, #tpu.memory_space<hbm>>
        %dma_start3A_79 = arith.constant 0 : i32
        %dma_start3A_80 = tpu.memref_slice %arg3[%add3A_58, %dma_start3A_79] : memref<768x100000xf32, #tpu.memory_space<hbm>> -> memref<1x100000xf32, #tpu.memory_space<hbm>>
        %dma_start3A_81 = tpu.memref_squeeze %dma_start3A_80 : memref<1x100000xf32, #tpu.memory_space<hbm>> -> memref<100000xf32, #tpu.memory_space<hbm>>
        tpu.enqueue_dma source(%dma_start3A_81 : memref<100000xf32, #tpu.memory_space<hbm>>) target(%arg6 : memref<100000xf32, #tpu.memory_space<vmem>>) target_semaphore(%run_scoped3A : memref<!tpu.dma_semaphore, #tpu.memory_space<semaphore_mem>>)
        %dma_wait3A_82 = arith.constant 0 : i32
        %dma_wait3A_83 = tpu.memref_slice %arg3[%add3A_58, %dma_wait3A_82] : memref<768x100000xf32, #tpu.memory_space<hbm>> -> memref<1x100000xf32, #tpu.memory_space<hbm>>
        %dma_wait3A_84 = tpu.memref_squeeze %dma_wait3A_83 : memref<1x100000xf32, #tpu.memory_space<hbm>> -> memref<100000xf32, #tpu.memory_space<hbm>>
        %dma_wait3A_85 = arith.constant 0 : i32
        %dma_wait3A_86 = tpu.memref_slice %arg3[%add3A_58, %dma_wait3A_85] : memref<768x100000xf32, #tpu.memory_space<hbm>> -> memref<1x100000xf32, #tpu.memory_space<hbm>>
        %dma_wait3A_87 = tpu.memref_squeeze %dma_wait3A_86 : memref<1x100000xf32, #tpu.memory_space<hbm>> -> memref<100000xf32, #tpu.memory_space<hbm>>
        tpu.wait_dma2 semaphore(%run_scoped3A : memref<!tpu.dma_semaphore, #tpu.memory_space<semaphore_mem>>) src(%dma_wait3A_87 : memref<100000xf32, #tpu.memory_space<hbm>>) dst(%arg6 : memref<100000xf32, #tpu.memory_space<vmem>>)
        tpu.yield
      }) : () -> ()
      %scan3A_59 = arith.constant 0 : i32
      %scan3A_60 = arith.constant 0 : i32
      %scan3A_61 = arith.constant 512 : i32
      %scan3A_62 = arith.addi %scan3A_60, %scan3A_61 : i32
      %scan3A_63 = arith.constant 8 : i32
      scf.for %scan3A_76 = %scan3A_60 to %scan3A_62 step %scan3A_63  : i32 {
        %mul3A_77 = arith.constant 16 : i32
        %mul3A_78 = arith.muli %scan3A_76, %mul3A_77 : i32
        %get3A = arith.index_cast %mul3A_78 : i32 to index
        %get3A_79 = tpu.vector_load %arg5[%get3A] {strides = array<i32>} : memref<8192xi32, #tpu.memory_space<vmem>>, vector<16xi32>,
        %gather3A = tpu.vector_load_idx %arg6[%get3A_79] : memref<100000xf32, #tpu.memory_space<vmem>>[vector<16xi32>], vector<16xf32>,
        %mul3A_80 = arith.constant 16 : i32
        %mul3A_81 = arith.muli %scan3A_76, %mul3A_80 : i32
        %swap3A = arith.index_cast %mul3A_81 : i32 to index
        %swap3A_82 = tpu.vector_load %arg8[%swap3A] {strides = array<i32>} : memref<8192xf32, #tpu.memory_space<vmem>>, vector<16xf32>,
        tpu.vector_store %arg8[%swap3A], %gather3A {strides = array<i32>} : memref<8192xf32, #tpu.memory_space<vmem>>, vector<16xf32>,
        %scan3A_83 = arith.constant 1 : i32
        %scan3A_84 = arith.addi %scan3A_76, %scan3A_83 : i32
        %mul3A_85 = arith.constant 16 : i32
        %mul3A_86 = arith.muli %scan3A_84, %mul3A_85 : i32
        %get3A_87 = arith.index_cast %mul3A_86 : i32 to index
        %get3A_88 = tpu.vector_load %arg5[%get3A_87] {strides = array<i32>} : memref<8192xi32, #tpu.memory_space<vmem>>, vector<16xi32>,
        %gather3A_89 = tpu.vector_load_idx %arg6[%get3A_88] : memref<100000xf32, #tpu.memory_space<vmem>>[vector<16xi32>], vector<16xf32>,
        %mul3A_90 = arith.constant 16 : i32
        %mul3A_91 = arith.muli %scan3A_84, %mul3A_90 : i32
        %swap3A_92 = arith.index_cast %mul3A_91 : i32 to index
        %swap3A_93 = tpu.vector_load %arg8[%swap3A_92] {strides = array<i32>} : memref<8192xf32, #tpu.memory_space<vmem>>, vector<16xf32>,
        tpu.vector_store %arg8[%swap3A_92], %gather3A_89 {strides = array<i32>} : memref<8192xf32, #tpu.memory_space<vmem>>, vector<16xf32>,
        %scan3A_94 = arith.constant 2 : i32
        %scan3A_95 = arith.addi %scan3A_76, %scan3A_94 : i32
        %mul3A_96 = arith.constant 16 : i32
        %mul3A_97 = arith.muli %scan3A_95, %mul3A_96 : i32
        %get3A_98 = arith.index_cast %mul3A_97 : i32 to index
        %get3A_99 = tpu.vector_load %arg5[%get3A_98] {strides = array<i32>} : memref<8192xi32, #tpu.memory_space<vmem>>, vector<16xi32>,
        %gather3A_100 = tpu.vector_load_idx %arg6[%get3A_99] : memref<100000xf32, #tpu.memory_space<vmem>>[vector<16xi32>], vector<16xf32>,
        %mul3A_101 = arith.constant 16 : i32
        %mul3A_102 = arith.muli %scan3A_95, %mul3A_101 : i32
        %swap3A_103 = arith.index_cast %mul3A_102 : i32 to index
        %swap3A_104 = tpu.vector_load %arg8[%swap3A_103] {strides = array<i32>} : memref<8192xf32, #tpu.memory_space<vmem>>, vector<16xf32>,
        tpu.vector_store %arg8[%swap3A_103], %gather3A_100 {strides = array<i32>} : memref<8192xf32, #tpu.memory_space<vmem>>, vector<16xf32>,
        %scan3A_105 = arith.constant 3 : i32
        %scan3A_106 = arith.addi %scan3A_76, %scan3A_105 : i32
        %mul3A_107 = arith.constant 16 : i32
        %mul3A_108 = arith.muli %scan3A_106, %mul3A_107 : i32
        %get3A_109 = arith.index_cast %mul3A_108 : i32 to index
        %get3A_110 = tpu.vector_load %arg5[%get3A_109] {strides = array<i32>} : memref<8192xi32, #tpu.memory_space<vmem>>, vector<16xi32>,
        %gather3A_111 = tpu.vector_load_idx %arg6[%get3A_110] : memref<100000xf32, #tpu.memory_space<vmem>>[vector<16xi32>], vector<16xf32>,
        %mul3A_112 = arith.constant 16 : i32
        %mul3A_113 = arith.muli %scan3A_106, %mul3A_112 : i32
        %swap3A_114 = arith.index_cast %mul3A_113 : i32 to index
        %swap3A_115 = tpu.vector_load %arg8[%swap3A_114] {strides = array<i32>} : memref<8192xf32, #tpu.memory_space<vmem>>, vector<16xf32>,
        tpu.vector_store %arg8[%swap3A_114], %gather3A_111 {strides = array<i32>} : memref<8192xf32, #tpu.memory_space<vmem>>, vector<16xf32>,
        %scan3A_116 = arith.constant 4 : i32
        %scan3A_117 = arith.addi %scan3A_76, %scan3A_116 : i32
        %mul3A_118 = arith.constant 16 : i32
        %mul3A_119 = arith.muli %scan3A_117, %mul3A_118 : i32
        %get3A_120 = arith.index_cast %mul3A_119 : i32 to index
        %get3A_121 = tpu.vector_load %arg5[%get3A_120] {strides = array<i32>} : memref<8192xi32, #tpu.memory_space<vmem>>, vector<16xi32>,
        %gather3A_122 = tpu.vector_load_idx %arg6[%get3A_121] : memref<100000xf32, #tpu.memory_space<vmem>>[vector<16xi32>], vector<16xf32>,
        %mul3A_123 = arith.constant 16 : i32
        %mul3A_124 = arith.muli %scan3A_117, %mul3A_123 : i32
        %swap3A_125 = arith.index_cast %mul3A_124 : i32 to index
        %swap3A_126 = tpu.vector_load %arg8[%swap3A_125] {strides = array<i32>} : memref<8192xf32, #tpu.memory_space<vmem>>, vector<16xf32>,
        tpu.vector_store %arg8[%swap3A_125], %gather3A_122 {strides = array<i32>} : memref<8192xf32, #tpu.memory_space<vmem>>, vector<16xf32>,
        %scan3A_127 = arith.constant 5 : i32
        %scan3A_128 = arith.addi %scan3A_76, %scan3A_127 : i32
        %mul3A_129 = arith.constant 16 : i32
        %mul3A_130 = arith.muli %scan3A_128, %mul3A_129 : i32
        %get3A_131 = arith.index_cast %mul3A_130 : i32 to index
        %get3A_132 = tpu.vector_load %arg5[%get3A_131] {strides = array<i32>} : memref<8192xi32, #tpu.memory_space<vmem>>, vector<16xi32>,
        %gather3A_133 = tpu.vector_load_idx %arg6[%get3A_132] : memref<100000xf32, #tpu.memory_space<vmem>>[vector<16xi32>], vector<16xf32>,
        %mul3A_134 = arith.constant 16 : i32
        %mul3A_135 = arith.muli %scan3A_128, %mul3A_134 : i32
        %swap3A_136 = arith.index_cast %mul3A_135 : i32 to index
        %swap3A_137 = tpu.vector_load %arg8[%swap3A_136] {strides = array<i32>} : memref<8192xf32, #tpu.memory_space<vmem>>, vector<16xf32>,
        tpu.vector_store %arg8[%swap3A_136], %gather3A_133 {strides = array<i32>} : memref<8192xf32, #tpu.memory_space<vmem>>, vector<16xf32>,
        %scan3A_138 = arith.constant 6 : i32
        %scan3A_139 = arith.addi %scan3A_76, %scan3A_138 : i32
        %mul3A_140 = arith.constant 16 : i32
        %mul3A_141 = arith.muli %scan3A_139, %mul3A_140 : i32
        %get3A_142 = arith.index_cast %mul3A_141 : i32 to index
        %get3A_143 = tpu.vector_load %arg5[%get3A_142] {strides = array<i32>} : memref<8192xi32, #tpu.memory_space<vmem>>, vector<16xi32>,
        %gather3A_144 = tpu.vector_load_idx %arg6[%get3A_143] : memref<100000xf32, #tpu.memory_space<vmem>>[vector<16xi32>], vector<16xf32>,
        %mul3A_145 = arith.constant 16 : i32
        %mul3A_146 = arith.muli %scan3A_139, %mul3A_145 : i32
        %swap3A_147 = arith.index_cast %mul3A_146 : i32 to index
        %swap3A_148 = tpu.vector_load %arg8[%swap3A_147] {strides = array<i32>} : memref<8192xf32, #tpu.memory_space<vmem>>, vector<16xf32>,
        tpu.vector_store %arg8[%swap3A_147], %gather3A_144 {strides = array<i32>} : memref<8192xf32, #tpu.memory_space<vmem>>, vector<16xf32>,
        %scan3A_149 = arith.constant 7 : i32
        %scan3A_150 = arith.addi %scan3A_76, %scan3A_149 : i32
        %mul3A_151 = arith.constant 16 : i32
        %mul3A_152 = arith.muli %scan3A_150, %mul3A_151 : i32
        %get3A_153 = arith.index_cast %mul3A_152 : i32 to index
        %get3A_154 = tpu.vector_load %arg5[%get3A_153] {strides = array<i32>} : memref<8192xi32, #tpu.memory_space<vmem>>, vector<16xi32>,
        %gather3A_155 = tpu.vector_load_idx %arg6[%get3A_154] : memref<100000xf32, #tpu.memory_space<vmem>>[vector<16xi32>], vector<16xf32>,
        %mul3A_156 = arith.constant 16 : i32
        %mul3A_157 = arith.muli %scan3A_150, %mul3A_156 : i32
        %swap3A_158 = arith.index_cast %mul3A_157 : i32 to index
        %swap3A_159 = tpu.vector_load %arg8[%swap3A_158] {strides = array<i32>} : memref<8192xf32, #tpu.memory_space<vmem>>, vector<16xf32>,
        tpu.vector_store %arg8[%swap3A_158], %gather3A_155 {strides = array<i32>} : memref<8192xf32, #tpu.memory_space<vmem>>, vector<16xf32>,
      }
      %scan3A_64 = arith.constant 512 : i32
      %add3A_65 = arith.constant 1 : i32
      %add3A_66 = arith.addi %add3A_35, %add3A_65 : i32
      %dma_start3A_67 = arith.constant 1 : i32
      %dma_start3A_68 = arith.constant 0 : i32
      %dma_start3A_69 = tpu.memref_slice %arg4[%add3A_66, %dma_start3A_68] : memref<768x8192xf32, #tpu.memory_space<hbm>> -> memref<1x8192xf32, #tpu.memory_space<hbm>>
      %dma_start3A_70 = tpu.memref_squeeze %dma_start3A_69 : memref<1x8192xf32, #tpu.memory_space<hbm>> -> memref<8192xf32, #tpu.memory_space<hbm>>
      %dma_start3A_71 = tpu.memref_slice %arg9[%dma_start3A_67] : memref<2x!tpu.dma_semaphore, #tpu.memory_space<semaphore_mem>> -> memref<1x!tpu.dma_semaphore, #tpu.memory_space<semaphore_mem>>
      %dma_start3A_72 = tpu.memref_squeeze %dma_start3A_71 : memref<1x!tpu.dma_semaphore, #tpu.memory_space<semaphore_mem>> -> memref<!tpu.dma_semaphore, #tpu.memory_space<semaphore_mem>>
      %dma_start3A_73 = arith.constant 0 : i32
      %dma_start3A_74 = tpu.memref_slice %arg4[%add3A_66, %dma_start3A_73] : memref<768x8192xf32, #tpu.memory_space<hbm>> -> memref<1x8192xf32, #tpu.memory_space<hbm>>
      %dma_start3A_75 = tpu.memref_squeeze %dma_start3A_74 : memref<1x8192xf32, #tpu.memory_space<hbm>> -> memref<8192xf32, #tpu.memory_space<hbm>>
      tpu.enqueue_dma source(%arg8 : memref<8192xf32, #tpu.memory_space<vmem>>) target(%dma_start3A_75 : memref<8192xf32, #tpu.memory_space<hbm>>) target_semaphore(%dma_start3A_72 : memref<!tpu.dma_semaphore, #tpu.memory_space<semaphore_mem>>)
    }
    %scan3A_5 = arith.constant 12 : i32
    %mul3A_6 = arith.constant 24 : i32
    %mul3A_7 = arith.muli %add3A, %mul3A_6 : i32
    %add3A_8 = arith.constant 24 : i32
    %add3A_9 = arith.addi %mul3A_7, %add3A_8 : i32
    %sub3A = arith.constant 2 : i32
    %sub3A_10 = arith.subi %add3A_9, %sub3A : i32
    %dma_wait3A = arith.constant 0 : i32
    %dma_wait3A_11 = arith.constant 0 : i32
    %dma_wait3A_12 = tpu.memref_slice %arg4[%sub3A_10, %dma_wait3A_11] : memref<768x8192xf32, #tpu.memory_space<hbm>> -> memref<1x8192xf32, #tpu.memory_space<hbm>>
    %dma_wait3A_13 = tpu.memref_squeeze %dma_wait3A_12 : memref<1x8192xf32, #tpu.memory_space<hbm>> -> memref<8192xf32, #tpu.memory_space<hbm>>
    %dma_wait3A_14 = tpu.memref_slice %arg9[%dma_wait3A] : memref<2x!tpu.dma_semaphore, #tpu.memory_space<semaphore_mem>> -> memref<1x!tpu.dma_semaphore, #tpu.memory_space<semaphore_mem>>
    %dma_wait3A_15 = tpu.memref_squeeze %dma_wait3A_14 : memref<1x!tpu.dma_semaphore, #tpu.memory_space<semaphore_mem>> -> memref<!tpu.dma_semaphore, #tpu.memory_space<semaphore_mem>>
    %dma_wait3A_16 = arith.constant 0 : i32
    %dma_wait3A_17 = tpu.memref_slice %arg4[%sub3A_10, %dma_wait3A_16] : memref<768x8192xf32, #tpu.memory_space<hbm>> -> memref<1x8192xf32, #tpu.memory_space<hbm>>
    %dma_wait3A_18 = tpu.memref_squeeze %dma_wait3A_17 : memref<1x8192xf32, #tpu.memory_space<hbm>> -> memref<8192xf32, #tpu.memory_space<hbm>>
    tpu.wait_dma2 semaphore(%dma_wait3A_15 : memref<!tpu.dma_semaphore, #tpu.memory_space<semaphore_mem>>) src(%arg7 : memref<8192xf32, #tpu.memory_space<vmem>>) dst(%dma_wait3A_18 : memref<8192xf32, #tpu.memory_space<hbm>>)
    %add3A_19 = arith.constant 1 : i32
    %add3A_20 = arith.addi %sub3A_10, %add3A_19 : i32
    %dma_wait3A_21 = arith.constant 1 : i32
    %dma_wait3A_22 = arith.constant 0 : i32
    %dma_wait3A_23 = tpu.memref_slice %arg4[%add3A_20, %dma_wait3A_22] : memref<768x8192xf32, #tpu.memory_space<hbm>> -> memref<1x8192xf32, #tpu.memory_space<hbm>>
    %dma_wait3A_24 = tpu.memref_squeeze %dma_wait3A_23 : memref<1x8192xf32, #tpu.memory_space<hbm>> -> memref<8192xf32, #tpu.memory_space<hbm>>
    %dma_wait3A_25 = tpu.memref_slice %arg9[%dma_wait3A_21] : memref<2x!tpu.dma_semaphore, #tpu.memory_space<semaphore_mem>> -> memref<1x!tpu.dma_semaphore, #tpu.memory_space<semaphore_mem>>
    %dma_wait3A_26 = tpu.memref_squeeze %dma_wait3A_25 : memref<1x!tpu.dma_semaphore, #tpu.memory_space<semaphore_mem>> -> memref<!tpu.dma_semaphore, #tpu.memory_space<semaphore_mem>>
    %dma_wait3A_27 = arith.constant 0 : i32
    %dma_wait3A_28 = tpu.memref_slice %arg4[%add3A_20, %dma_wait3A_27] : memref<768x8192xf32, #tpu.memory_space<hbm>> -> memref<1x8192xf32, #tpu.memory_space<hbm>>
    %dma_wait3A_29 = tpu.memref_squeeze %dma_wait3A_28 : memref<1x8192xf32, #tpu.memory_space<hbm>> -> memref<8192xf32, #tpu.memory_space<hbm>>
    tpu.wait_dma2 semaphore(%dma_wait3A_26 : memref<!tpu.dma_semaphore, #tpu.memory_space<semaphore_mem>>) src(%arg8 : memref<8192xf32, #tpu.memory_space<vmem>>) dst(%dma_wait3A_29 : memref<8192xf32, #tpu.memory_space<hbm>>)
    return
  }
}

</mosaic_0001>

<sc_bundles>
// kernel: _gather_rows.3.cloned.1.call-start
scs
__scs_entry_jumppad:
0x0: {  	(pc) =	sbr.rel $0x88, $3  }
0x1: {  	(tag) =	ssettag $0x0;
	lr =	simm.s32 $0x1  }
0x2: {  	[smem:$0x3F9F] =	sst lr;
	_ =	strace $0xD0000000  }
0x3: {  	_ = 	snop  }
0x4: {  	_ = 	snop  }
0x5: {  	_ = 	snop  }
0x6: {  	_ = 	snop  }
0x7: {  	_ = 	snop  }
__scs_overlays_trampoline_lowered:
0x8: {  	[smem:$0x3FAE] =	sst s0  }
0x9: {  	[smem:$0x3FAF] =	sst s1  }
0xa: {  	[smem:$0x3FB0] =	sst s2  }
0xb: {  	[smem:$0x3FB1] =	sst s3  }
0xc: {  	[smem:$0x3FB2] =	sst s4  }
0xd: {  	[smem:$0x3FB3] =	sst s5  }
0xe: {  	[smem:$0x3FB4] =	sst s6  }
0xf: {  	[smem:$0x3FB5] =	sst s7  }
0x10: {  	[smem:$0x3FB6] =	sst s8  }
0x11: {  	[smem:$0x3FB7] =	sst s9;
	s0 =	simm.s32 @!p0 $0x0  }
0x12: {  	s1 =	sld [smem:$0x3F9D];
	s0 =	simm.s32 @p0 $0x1  }
0x13: {  	[smem:$0x3FB8] =	sst s0;
	s0 =	simm.s32 @!p1 $0x0  }
0x14: {  	s2 =	sld [smem:$0x3F9C];
	s0 =	simm.s32 @p1 $0x1  }
0x15: {  	[smem:$0x3FB9] =	sst s0;
	s0 =	simm.s32 @!p2 $0x0  }
0x16: {  	s3 =	sld [smem:$0x3FDB];
	s0 =	simm.s32 @p2 $0x1  }
0x17: {  	s4 =	simm.s32 $0x1BF5;
	[smem:$0x3FBB] =	sst s0  }
0x18: {  	s0 =	sld [smem:$0x3F9E];
	_ =	swait.ge [sflag:s4], $0x0  }
0x19: {  	s7 =	sld [smem:$0x3F9F]  }
0x1a: {  	s8 =	sadd.s32 $0xFFFFE003, lr  }
0x1b: {  	s9 =	sadd.s32 $0xFFFFFEF7, lr;
	s5 =	simm.s32 $0xFFFFFFFF;
	p2 =	slt.u32 s8, $0xFFFFF086  }
0x1c: {  	p1 =	slt.u32 s9, $0xF7A;
	s5 =	simm.s32 @!p2 $0x0  }
0x1d: {  	s5 =	simm.s32 @p1 $0x1;
	p0 =	seq.s32 s7, s2  }
0x1e: {  	s7 =	smul.u32 @!p0 $0xF7A, s2;
	p2 =	seq.s32 @!p0 s5, $0x0  }
0x1f: {  	s9 =	smul.u32 $0xF7A, s1;
	s8 =	simm.s32 @!p0 $0x1BF5;
	p2 =	por !p2, p0  }
0x20: {  	[sflag:s8] =	ssyncset.s32 @!p0 $0xFFFFF086;
	s6 =	sadd.s32 @!p0 s3, s7;
	s7 =	simm.s32 @!p0 $0x108  }
0x21: {  	s3 =	sadd.s32 s3, s9;
	s6 =	sadd.s32 @!p0 $0x88, s6;
	s7 =	simm.s32 @p2 $0x1082  }
0x22: {  	[simem:s7], [sflag:s8] =	dma.local @!p0 [hbm:s6], $0xF7A  }
0x23: {  	s9 =	sor.u32 $0xD0000000, s2;
	s6 =	simm.s32 $0x108;
	_ =	swait.ge @!p0 [sflag:s8], $0x0  }
0x24: {  	s3 =	sadd.s32 $0x88, s3;
	s6 =	simm.s32 @!p1 $0x1082;
	[sflag:s4] =	ssyncset.s32 $0xFFFFF086  }
0x25: {  	[simem:s6], [sflag:s4] =	dma.local [hbm:s3], $0xF7A  }
0x26: {  	[smem:$0x3F9F] =	sst s1;
	(tag) =	ssettag s2;
	_ =	strace s9  }
0x27: {  	s1 =	sld [smem:$0x3FAF]  }
0x28: {  	s2 =	sld [smem:$0x3FB0]  }
0x29: {  	s4 =	sld [smem:$0x3FB2]  }
0x2a: {  	p0 =	seq.s32 s5, $0x0;
	s5 =	sld [smem:$0x3FB3]  }
0x2b: {  	s6 =	sld [smem:$0x3FB4]  }
0x2c: {  	s7 =	sld [smem:$0x3FB5]  }
0x2d: {  	s3 =	simm.s32 $0x108;
	s8 =	sld [smem:$0x3FB6]  }
0x2e: {  	s3 =	simm.s32 @!p0 $0x1082;
	s9 =	sld [smem:$0x3FB7]  }
0x2f: {  	lr =	sadd.s32 s0, s3;
	s0 =	sld [smem:$0x3FAE]  }
0x30: {  	s3 =	sld [smem:$0x3FB1]  }
0x31: {  	[smem:$0x3FBA] =	sst s10  }
0x32: {  	s10 =	sld [smem:$0x3FB8];
	_ =	sdelay $0x3  }
0x33: {  	p0 =	seq.s32 s10, $0x1;
	s10 =	sld [smem:$0x3FBA];
	_ =	sdelay $0x3  }
0x34: {  	[smem:$0x3FBA] =	sst s10  }
0x35: {  	s10 =	sld [smem:$0x3FB9];
	_ =	sdelay $0x3  }
0x36: {  	p1 =	seq.s32 s10, $0x1;
	s10 =	sld [smem:$0x3FBA];
	_ =	sdelay $0x3  }
0x37: {  	[smem:$0x3FBA] =	sst s10  }
0x38: {  	s10 =	sld [smem:$0x3FBB]  }
0x39: {  	_ = 	snop;
	(pc) =	sbr.ind lr, $3  }
0x3a: {  	_ = 	snop  }
0x3b: {  	_ = 	snop  }
0x3c: {  	p2 =	seq.s32 s10, $0x1;
	s10 =	sld [smem:$0x3FBA]  }
0x3d: {  	_ =	shalt  }
0x3e: {  	_ =	shalt  }
0x3f: {  	_ =	shalt  }
0x40: {  	_ =	shalt  }
0x41: {  	_ =	shalt  }
0x42: {  	_ =	shalt  }
0x43: {  	_ =	shalt  }
0x44: {  	_ =	shalt  }
0x45: {  	_ =	shalt  }
0x46: {  	_ =	shalt  }
0x47: {  	_ =	shalt  }
0x48: {  	_ =	shalt  }
0x49: {  	_ =	shalt  }
0x4a: {  	_ =	shalt  }
0x4b: {  	_ =	shalt  }
0x4c: {  	_ =	shalt  }
0x4d: {  	_ =	shalt  }
0x4e: {  	_ =	shalt  }
0x4f: {  	_ =	shalt  }
0x50: {  	_ =	shalt  }
0x51: {  	_ =	shalt  }
0x52: {  	_ =	shalt  }
0x53: {  	_ =	shalt  }
0x54: {  	_ =	shalt  }
0x55: {  	_ =	shalt  }
0x56: {  	_ =	shalt  }
0x57: {  	_ =	shalt  }
0x58: {  	_ =	shalt  }
0x59: {  	_ =	shalt  }
0x5a: {  	_ =	shalt  }
0x5b: {  	_ =	shalt  }
0x5c: {  	_ =	shalt  }
0x5d: {  	_ =	shalt  }
0x5e: {  	_ =	shalt  }
0x5f: {  	_ =	shalt  }
0x60: {  	_ =	shalt  }
0x61: {  	_ =	shalt  }
0x62: {  	_ =	shalt  }
0x63: {  	_ =	shalt  }
0x64: {  	_ =	shalt  }
0x65: {  	_ =	shalt  }
0x66: {  	_ =	shalt  }
0x67: {  	_ =	shalt  }
0x68: {  	_ =	shalt  }
0x69: {  	_ =	shalt  }
0x6a: {  	_ =	shalt  }
0x6b: {  	_ =	shalt  }
0x6c: {  	_ =	shalt  }
0x6d: {  	_ =	shalt  }
0x6e: {  	_ =	shalt  }
0x6f: {  	_ =	shalt  }
0x70: {  	_ =	shalt  }
0x71: {  	_ =	shalt  }
0x72: {  	_ =	shalt  }
0x73: {  	_ =	shalt  }
0x74: {  	_ =	shalt  }
0x75: {  	_ =	shalt  }
0x76: {  	_ =	shalt  }
0x77: {  	_ =	shalt  }
0x78: {  	_ =	shalt  }
0x79: {  	_ =	shalt  }
0x7a: {  	_ =	shalt  }
0x7b: {  	_ =	shalt  }
0x7c: {  	_ =	shalt  }
0x7d: {  	_ =	shalt  }
0x7e: {  	_ =	shalt  }
0x7f: {  	_ =	shalt  }
0x80: {  	_ =	shalt  }
0x81: {  	_ =	shalt  }
0x82: {  	_ =	shalt  }
0x83: {  	_ =	shalt  }
0x84: {  	_ =	shalt  }
0x85: {  	_ =	shalt  }
0x86: {  	_ =	shalt  }
0x87: {  	_ =	shalt  }
.Lfunc_end0:
.L_simem_size_0:
called_computation_lowered:
.L_overlay_start_0:
0x88: {  	s2 =	sld [smem:$0x3FD9]  }
0x89: {  	s3 =	sld [smem:$0x3FFE];
	_ =	sdelay $0x1  }
0x8a: {  	s1 =	srdreg.scid  }
0x8b: {  	s0 =	sand.u32 $0x1, s1  }
0x8c: {  	s17 =	sshll.u32 s0, $0xA;
	s2 =	sadd.s32 s3, s2  }
0x8d: {  	s2 =	sadd.s32 s2, s17  }
0x8e: {  	[smem:$0x3FC6] =	sst s2  }
0x8f: {  	_ = 	snop  }
0x90: {  	s2 =	sld [smem:$0x3FC9]  }
0x91: {  	s18 =	sld [smem:$0x3FD0];
	(tm) =	ssettm $0x1  }
0x92: {  	s4 =	sld [smem:$0x3FFB];
	_ =	sdelay $0x3  }
0x93: {  	_ =	strace s4  }
0x94: {  	s4 =	sld [smem:$0x3FFC];
	_ =	sdelay $0x3  }
0x95: {  	_ =	strace s4  }
0x96: {  	s4 =	sld [smem:$0x3FFD];
	_ =	sdelay $0x3  }
0x97: {  	_ =	strace s4  }
0x98: {  	_ =	strace $0x8FFFFFFF  }
0x99: {  	s19 =	sld [smem:$0x3FDB];
	_ =	sdelay $0x1  }
0x9a: {  	s5 =	simm.s32 $_scs_section_size  }
0x9b: {  	s6 =	simm.s32 $_size__tile_overlayer_lowered;
	s7 =	simm.s32 $_tile_overlayer_lowered  }
0x9c: {  	s22 =	simm.s32 $0x1BFF;
	s21 =	sshll.u32 s7, $0x1;
	s4 =	sadd.s32 s5, s19  }
0x9d: {  	s8 =	simm.s32 $0x0;
	s20 =	sshll.u32 s6, $0x1;
	s6 =	sadd.s32 s21, s4  }
0x9e: {  	[timem:s8], [sflag:s22] =	dma.local [hbm:s6], s20  }
0x9f: {  	_ =	swait.ge [sflag:s22], s20  }
0xa0: {  	s5 =	ssub.s32 $0x0, s20;
	[sflag:s22] =	ssyncset.done $0x0  }
0xa1: {  	[sflag:s22] =	ssyncadd.s32 s5;
	_ =	sdelay $0x1  }
0xa2: {  	s23 =	simm.s32 $0x1B8B  }
0xa3: {  	_ =	swait.ge [sflag:s23], $0x1  }
0xa4: {  	[sflag:s23] =	ssyncset.done $0x0  }
0xa5: {  	s25 =	simm.s32 $0x1B8E;
	s24 =	sld [smem:$0x3FFE];
	[sflag:s23] =	ssyncadd.s32 $0xFFFFFFFF  }
0xa6: {  	s26 =	simm.s32 $execute0_lowered;
	[smem:$0x3FD2] =	sst s25  }
0xa7: {  	s6 =	sshll.u32 s26, $0x1;
	_ =	strace $0x80000046;
	[dreg:$0x1] =	wrdreg $0xFFFFFFFF  }
0xa8: {  	s28 =	simm.s32 $_size_execute0_lowered;
	s4 =	sadd.s32 s4, s6;
	[dreg:$0x0] =	wrdreg $0x0  }
0xa9: {  	s6 =	sshll.u32 s28, $0x1;
	[dreg:$0x2] =	wrdreg s4  }
0xaa: {  	[dreg:$0x3] =	wrdreg s6  }
0xab: {  	[dreg:$0x4] =	wrdreg $0xC0  }
0xac: {  	_ =	task [dreg:s8], $0x5FFFF  }
0xad: {  	[dreg:$0x1] =	wrdreg $0xFFFFFFFF  }
0xae: {  	[dreg:$0x0] =	wrdreg $0x60  }
0xaf: {  	[dreg:$0x2] =	wrdreg s2  }
0xb0: {  	[dreg:$0x3] =	wrdreg s24  }
0xb1: {  	[dreg:$0x4] =	wrdreg s18  }
0xb2: {  	[dreg:$0x5] =	wrdreg $0x9  }
0xb3: {  	_ =	task.clear_ibuf [dreg:s8], $0x6FFFF;
	_ =	strace $0x90000046  }
0xb4: {  	s29 =	simm.s32 $0x9;
	_ =	strace $0x80000048  }
0xb5: {  	_ =	swait.ge [sflag:s29], $0x1  }
0xb6: {  	[sflag:s29] =	ssyncadd.s32 $0xFFFFFFFF  }
0xb7: {  	_ =	strace $0x90000048  }
0xb8: {  	_ =	sfence  }
0xb9: {  	s30 =	sld [smem:$0x0];
	_ =	sdelay $0x2  }
0xba: {  	s31 =	sshll.u32 s1, $0xD;
	s1 =	sshrl.u32 s1, $0x2  }
0xbb: {  	s3 =	sand.u32 $0x4000, s31;
	s1 =	sadd.s32 s1, s30  }
0xbc: {  	s0 =	sor.u32 s3, s0;
	s1 =	sshll.u32 s1, $0x11  }
0xbd: {  	s0 =	sor.u32 s1, s0  }
0xbe: {  	s0 =	sadd.s32 $0x8F2B, s0  }
0xbf: {  	[sflag:s0] =	ssyncadd.remote.s32 $0x1  }
0xc0: {  	_ =	sfence.sel $0xFFFF  }
0xc1: {  	[dreg:$0x0] =	wrdreg $0xFFFFFFFF;
	(pc) =	sbr.abs _section_cstart, $3  }
0xc2: {  	[dreg:$0x1] =	wrdreg $0xFFFFFFFF  }
0xc3: {  	_ =	task.clear_ibuf [dreg:s8], $0x2FFFF;
	_ =	strace $0x9FFFFFFF  }
0xc4: {  	(tm) =	ssettm $0x7FFFFFFF  }
0xc5: {  	_ =	shalt  }
tec
execute0_lowered:
.L_overlay_start_1:
0x0: {  	(tag) =	ssettag $0x1  }
0x1: {  	s1 =	rddreg [dreg:$0x0]  }
0x2: {  	s5 =	rddreg [dreg:$0x1]  }
0x3: {  	s2 =	rddreg [dreg:$0x2]  }
0x4: {  	s3 =	srdreg.scid;
	s0 =	rddreg [dreg:$0x3];
	s4 =	simm.s32 $0x0  }
0x5: {  	s10 =	simm.s32 $0x400;
	s11 =	simm.s32 $0x2000;
	s12 =	simm.s32 $0x1A700  }
0x6: {  	s13 =	simm.s32 $0x1C700;
	s14 =	simm.s32 $0x1;
	s15 =	simm.s32 $0x2  }
0x7: {  	s16 =	simm.s32 $0x0;
	s6 =	sand.u32 $0x1, s3;
	s3 =	stileid.u32  }
0x8: {  	[smem:$0x7FF] =	sst s4;
	s5 =	sadd.s32 $0x400, s5;
	s7 =	ssub.s32 $0x2, s6  }
0x9: {  	s9 =	sshll.u32 s3, $0x1;
	_ =	strace $0x80000047;
	s8 =	sshrl.u32 s7, $0x1  }
0xa: {  	s6 =	sor.u32 s6, s9;
	s9 =	simm.s32 $0x80;
	s7 =	ssub.s32 s7, s8  }
0xb: {  	s6 =	smul.u32 $0x18, s6;
	s8 =	simm.s32 $0x3;
	s7 =	smax.u32 s7, $0x1  }
.LBB2_1:
0xc: {  	[tilespmem:s4], [sflag:$0x3] =	stream.linear.gather [hbm4b:s1+s4], $0x2000, $0x38;
	[tilespmem:$0x1E700] =	vst v63  }
0xd: {  	_ =	swait.ge [sflag:s8], $0x2000  }
0xe: {  	[sflag:s8] =	ssyncset.done $0x0  }
0xf: {  	s17 =	simm.s32 $0x0;
	[sflag:s8] =	ssyncadd.s32 $0xFFFFE000  }
.LBB2_2:
0x10: {  	s18 =	sshll.u32 s17, $0x1  }
0x11: {  	s18 =	sadd.s32 s6, s18  }
0x12: {  	s20 =	sshrl.u32 s18, $0x3  }
0x13: {  	p0 =	seq.s32 s17, $0x0;
	s19 =	sshll.u32 s17, $0x8;
	s18 =	smul.u32 $0xC3800, s20  }
0x14: {  	s21 =	simm.s32 @!p0 $0x1;
	s19 =	sand.u32 $0x300, s19  }
0x15: {  	_ =	swait.ge @!p0 [sflag:s21], $0x2000;
	s22 =	sor.u32 s19, s18  }
0x16: {  	[sflag:s21] =	ssyncset.done @!p0 $0x0;
	s22 =	sshrl.u32 s22, $0x3  }
0x17: {  	[sflag:s21] =	ssyncadd.s32 @!p0 $0xFFFFE000;
	s31 =	sadd.s32 s5, s22  }
0x18: {  	[tilespmem:s11], [sflag:$0x3] =	stream.strided.gather [hbm4b:s31+s9], $0x18700, s10, s9, $0x38;
	[tilespmem:$0x1E700] =	vst v63  }
0x19: {  	_ =	swait.ge [sflag:s8], $0x18700  }
0x1a: {  	s23 =	simm.s32 $0x1A740;
	[sflag:s8] =	ssyncset.done $0x0  }
0x1b: {  	s21 =	simm.s32 $0xFFFFFFF8;
	s22 =	simm.s32 $0x40;
	[sflag:s8] =	ssyncadd.s32 $0xFFFE7900  }
.LBB2_3:
0x1c: {  	v0 =	vld [tilespmem:s22+$0xFFFFFFC0];
	_ =	sdelay $0x7  }
0x1d: {  	v0 =	vld.idx.msk [tilespmem:v0+s11+$0x0], $0xffff;
	_ =	sdelay $0x4  }
0x1e: {  	[tilespmem:s23+$0xFFFFFFC0] =	vst v0  }
0x1f: {  	v0 =	vld [tilespmem:s22+$0xFFFFFFD0];
	_ =	sdelay $0x7  }
0x20: {  	v0 =	vld.idx.msk [tilespmem:v0+s11+$0x0], $0xffff;
	_ =	sdelay $0x4  }
0x21: {  	[tilespmem:s23+$0xFFFFFFD0] =	vst v0  }
0x22: {  	v0 =	vld [tilespmem:s22+$0xFFFFFFE0];
	_ =	sdelay $0x7  }
0x23: {  	v0 =	vld.idx.msk [tilespmem:v0+s11+$0x0], $0xffff;
	_ =	sdelay $0x4  }
0x24: {  	[tilespmem:s23+$0xFFFFFFE0] =	vst v0  }
0x25: {  	v0 =	vld [tilespmem:s22+$0xFFFFFFF0];
	_ =	sdelay $0x7  }
0x26: {  	v0 =	vld.idx.msk [tilespmem:v0+s11+$0x0], $0xffff;
	_ =	sdelay $0x4  }
0x27: {  	[tilespmem:s23+$0xFFFFFFF0] =	vst v0  }
0x28: {  	v0 =	vld [tilespmem:s22+$0x0];
	_ =	sdelay $0x7  }
0x29: {  	v0 =	vld.idx.msk [tilespmem:v0+s11+$0x0], $0xffff;
	_ =	sdelay $0x4  }
0x2a: {  	[tilespmem:s23+$0x0] =	vst v0  }
0x2b: {  	v0 =	vld [tilespmem:s22+$0x10];
	_ =	sdelay $0x7  }
0x2c: {  	v0 =	vld.idx.msk [tilespmem:v0+s11+$0x0], $0xffff;
	_ =	sdelay $0x4  }
0x2d: {  	[tilespmem:s23+$0x10] =	vst v0  }
0x2e: {  	v0 =	vld [tilespmem:s22+$0x20];
	_ =	sdelay $0x7  }
0x2f: {  	v0 =	vld.idx.msk [tilespmem:v0+s11+$0x0], $0xffff;
	_ =	sdelay $0x4  }
0x30: {  	[tilespmem:s23+$0x20] =	vst v0  }
0x31: {  	v0 =	vld [tilespmem:s22+$0x30];
	_ =	sdelay $0x6  }
0x32: {  	s21 =	sadd.s32 $0x8, s21  }
0x33: {  	p1 =	slt.u32 s21, $0x1F8;
	v0 =	vld.idx.msk [tilespmem:v0+s11+$0x0], $0xffff  }
.Ltmp0:
0x34: {  	_ = 	snop;
	(pc) =	sbr.rel @p1 .LBB2_3-.Ltmp0, $2  }
0x35: {  	_ =	sdelay $0x2  }
0x36: {  	s22 =	sadd.s32 $0x80, s22;
	[tilespmem:s23+$0x30] =	vst v0;
	s23 =	sadd.s32 $0x80, s23  }
0x37: {  	s20 =	sshll.u32 s20, $0x10  }
0x38: {  	s21 =	sor.u32 s19, s20  }
0x39: {  	s21 =	sshrl.u32 s21, $0x3  }
0x3a: {  	s21 =	sadd.s32 s2, s21  }
0x3b: {  	[hbm4b:s21+s9] =	stream.strided.scatter [tilespmem:s12], [sflag:$0x1], $0x2000, s10, s9, $0x38;
	[tilespmem:$0x1E700] =	vst v63  }
0x3c: {  	s19 =	sor.u32 $0x80, s19;
	s21 =	simm.s32 @!p0 $0x2  }
0x3d: {  	s18 =	sor.u32 s19, s18;
	_ =	swait.ge @!p0 [sflag:s21], $0x2000  }
0x3e: {  	s18 =	sshrl.u32 s18, $0x3;
	[sflag:s21] =	ssyncset.done @!p0 $0x0  }
0x3f: {  	s18 =	sadd.s32 s5, s18;
	[sflag:s21] =	ssyncadd.s32 @!p0 $0xFFFFE000  }
0x40: {  	[tilespmem:s11], [sflag:$0x3] =	stream.strided.gather [hbm4b:s18+s9], $0x18700, s10, s9, $0x38;
	[tilespmem:$0x1E700] =	vst v63  }
0x41: {  	_ =	swait.ge [sflag:s8], $0x18700  }
0x42: {  	s22 =	simm.s32 $0x1C740;
	[sflag:s8] =	ssyncset.done $0x0  }
0x43: {  	s21 =	simm.s32 $0x40;
	s18 =	simm.s32 $0xFFFFFFF8;
	[sflag:s8] =	ssyncadd.s32 $0xFFFE7900  }
.LBB2_5:
0x44: {  	v0 =	vld [tilespmem:s21+$0xFFFFFFC0];
	_ =	sdelay $0x7  }
0x45: {  	v0 =	vld.idx.msk [tilespmem:v0+s11+$0x0], $0xffff;
	_ =	sdelay $0x4  }
0x46: {  	[tilespmem:s22+$0xFFFFFFC0] =	vst v0  }
0x47: {  	v0 =	vld [tilespmem:s21+$0xFFFFFFD0];
	_ =	sdelay $0x7  }
0x48: {  	v0 =	vld.idx.msk [tilespmem:v0+s11+$0x0], $0xffff;
	_ =	sdelay $0x4  }
0x49: {  	[tilespmem:s22+$0xFFFFFFD0] =	vst v0  }
0x4a: {  	v0 =	vld [tilespmem:s21+$0xFFFFFFE0];
	_ =	sdelay $0x7  }
0x4b: {  	v0 =	vld.idx.msk [tilespmem:v0+s11+$0x0], $0xffff;
	_ =	sdelay $0x4  }
0x4c: {  	[tilespmem:s22+$0xFFFFFFE0] =	vst v0  }
0x4d: {  	v0 =	vld [tilespmem:s21+$0xFFFFFFF0];
	_ =	sdelay $0x7  }
0x4e: {  	v0 =	vld.idx.msk [tilespmem:v0+s11+$0x0], $0xffff;
	_ =	sdelay $0x4  }
0x4f: {  	[tilespmem:s22+$0xFFFFFFF0] =	vst v0  }
0x50: {  	v0 =	vld [tilespmem:s21+$0x0];
	_ =	sdelay $0x7  }
0x51: {  	v0 =	vld.idx.msk [tilespmem:v0+s11+$0x0], $0xffff;
	_ =	sdelay $0x4  }
0x52: {  	[tilespmem:s22+$0x0] =	vst v0  }
0x53: {  	v0 =	vld [tilespmem:s21+$0x10];
	_ =	sdelay $0x7  }
0x54: {  	v0 =	vld.idx.msk [tilespmem:v0+s11+$0x0], $0xffff;
	_ =	sdelay $0x4  }
0x55: {  	[tilespmem:s22+$0x10] =	vst v0  }
0x56: {  	v0 =	vld [tilespmem:s21+$0x20];
	_ =	sdelay $0x7  }
0x57: {  	v0 =	vld.idx.msk [tilespmem:v0+s11+$0x0], $0xffff;
	_ =	sdelay $0x4  }
0x58: {  	[tilespmem:s22+$0x20] =	vst v0  }
0x59: {  	v0 =	vld [tilespmem:s21+$0x30];
	_ =	sdelay $0x6  }
0x5a: {  	s18 =	sadd.s32 $0x8, s18  }
0x5b: {  	p0 =	slt.u32 s18, $0x1F8;
	v0 =	vld.idx.msk [tilespmem:v0+s11+$0x0], $0xffff  }
.Ltmp1:
0x5c: {  	_ = 	snop;
	(pc) =	sbr.rel @p0 .LBB2_5-.Ltmp1, $2  }
0x5d: {  	_ =	sdelay $0x2  }
0x5e: {  	s21 =	sadd.s32 $0x80, s21;
	[tilespmem:s22+$0x30] =	vst v0;
	s22 =	sadd.s32 $0x80, s22  }
0x5f: {  	s17 =	sadd.s32 $0x1, s17  }
0x60: {  	p0 =	sne.s32 s17, $0xC  }
.Ltmp2:
0x61: {  	_ = 	snop;
	(pc) =	sbr.rel @p0 .LBB2_2-.Ltmp2, $4  }
0x62: {  	s18 =	sor.u32 s19, s20  }
0x63: {  	s18 =	sshrl.u32 s18, $0x3  }
0x64: {  	s18 =	sadd.s32 s2, s18  }
0x65: {  	[hbm4b:s18+s9] =	stream.strided.scatter [tilespmem:s13], [sflag:$0x2], $0x2000, s10, s9, $0x38;
	[tilespmem:$0x1E700] =	vst v63  }
0x66: {  	s16 =	sadd.s32 $0x1, s16  }
0x67: {  	_ =	swait.ge [sflag:s14], $0x2000;
	p0 =	sne.s32 s16, s7  }
.Ltmp3:
0x68: {  	[sflag:s14] =	ssyncset.done $0x0;
	(pc) =	sbr.rel @p0 .LBB2_1-.Ltmp3, $4  }
0x69: {  	[sflag:s14] =	ssyncadd.s32 $0xFFFFE000  }
0x6a: {  	_ =	swait.ge [sflag:s15], $0x2000  }
0x6b: {  	[sflag:s15] =	ssyncset.done $0x0  }
0x6c: {  	[sflag:s15] =	ssyncadd.s32 $0xFFFFE000  }
0x6d: {  	_ =	sfence.sel $0x180000  }
0x6e: {  	[bflag:$0x0] =	sbarrier.arrive $0xFFFF  }
0x6f: {  	p0 =	sne.s32 s3, $0x0;
	_ =	strace $0x90000047  }
0x70: {  	s0 =	sadd.s32 @!p0 $0x100000, s0;
	[bflag:$0x2] =	sbarrier.arrive $0xFFFF  }
0x71: {  	[sflag:s0] =	ssyncadd.tile.s32 @!p0 $0x1;
	_ =	shalt  }
.Lfunc_end2:
_tile_overlayer_lowered:
.L_overlay_start_2:
0x72: {  	(tag) =	ssettag $0x2  }
0x73: {  	s0 =	rddreg [dreg:$0x0];
	s2 =	stileid.u32  }
0x74: {  	s1 =	rddreg [dreg:$0x1];
	p0 =	sne.s32 s2, $0x0  }
0x75: {  	s3 =	rddreg [dreg:$0x2];
	[bflag:$0x3] =	sbarrier.arrive $0xFFFF;
	s2 =	simm.s32 @!p0 $0x1C03  }
0x76: {  	[timem:s3], [sflag:s2] =	dma.local @!p0 [hbm:s0], s1  }
0x77: {  	s0 =	simm.s32 @!p0 $0x3  }
0x78: {  	_ =	swait.ge @!p0 [sflag:s0], s1  }
0x79: {  	s1 =	ssub.s32 @!p0 $0x0, s1;
	[sflag:s0] =	ssyncset.done @!p0 $0x0  }
0x7a: {  	[sflag:s0] =	ssyncadd.s32 @!p0 s1  }
0x7b: {  	[bflag:$0x3] =	sbarrier.arrive $0xFFFF  }
0x7c: {  	_ =	shalt  }

</sc_bundles>
